<compile_context>
chip_gen: v7x
topology: tpu7x:2x2x1
jax: 0.10.2.dev20260603
libtpu: 0.0.44.dev20260713+nightly
codegen_flags: <defaults>
</compile_context>

<pallas_src>
import functools

import jax
import jax.numpy as jnp
from jax import lax
from jax.experimental import pallas as pl
from jax.experimental.pallas import tpu as pltpu
from jax.experimental.pallas import tpu_sc as plsc

_BLK = 32768
_NING = 13


def _r0_body(nw, b_per_w, nc, e_hbm, rad_hbm, out_hbm,
             e_v, rad_v, out_v):
    wid = lax.axis_index("s") * nc + lax.axis_index("c")
    base = wid * b_per_w
    pltpu.sync_copy(e_hbm.at[:, pl.ds(base, b_per_w)], e_v)
    pltpu.sync_copy(rad_hbm, rad_v)

    def step(k, _):
        sl = pl.ds(k * 16, 16)
        ia = e_v[0, sl]
        ib = e_v[1, sl]
        a = plsc.load_gather(rad_v, [ia])
        b = plsc.load_gather(rad_v, [ib])
        out_v[sl] = a + b
        return _

    lax.fori_loop(0, b_per_w // 16, step, None, unroll=4)
    pltpu.sync_copy(out_v, out_hbm.at[pl.ds(base, b_per_w)])


def _sc_r0(edge_numbers, rad_pad):
    B = edge_numbers.shape[1]
    info = plsc.get_sparse_core_info()
    nc, ns = info.num_cores, info.num_subcores
    nw = nc * ns
    b_per_w = B // nw
    mesh = plsc.VectorSubcoreMesh(core_axis_name="c", subcore_axis_name="s")
    fn = functools.partial(
        pl.kernel,
        mesh=mesh,
        compiler_params=pltpu.CompilerParams(needs_layout_passes=False),
        out_type=jax.ShapeDtypeStruct((B,), jnp.float32),
        scratch_types=[
            pltpu.VMEM((2, b_per_w), jnp.int32),
            pltpu.VMEM((128,), jnp.float32),
            pltpu.VMEM((b_per_w,), jnp.float32),
        ],
    )(functools.partial(_r0_body, nw, b_per_w, nc))
    return fn(edge_numbers, rad_pad)


def _tc_body(r_ref, bt_ref, r0_ref, wt_ref, hop_ref, ov_ref):
    f32 = jnp.float32
    rrow = r_ref[0]
    bt = bt_ref[0]
    r0 = r0_ref[0]
    nbt = wt_ref.shape[1]
    blk = rrow.shape[1]

    iota_t = lax.broadcasted_iota(jnp.int32, (nbt, blk), 0)
    oht = jnp.where(iota_t == bt, 1.0, 0.0).astype(f32)

    g = lax.dot_general(wt_ref[...], oht, (((1,), (0,)), ((), ())),
                        preferred_element_type=f32)

    x = rrow / r0 - 1.0
    x2 = x * x
    lnr = jnp.log(r0 / rrow)
    fcut = 1.0 / (1.0 + jnp.exp((rrow - 5.0) * 5.0))

    for t, out_ref in ((0, hop_ref), (1, ov_ref)):
        base = 64 * t
        g0 = g[base:base + 16]
        g1 = g[base + 16:base + 32]
        g2 = g[base + 32:base + 48]
        g3 = g[base + 48:base + 64]
        poly = g0 + g1 * x + g2 * x2
        out_t = poly * jnp.exp(g3 * lnr) * fcut
        out_ref[...] = out_t[:_NING]


def kernel(r, bond_indices, edge_numbers, hopping_params, overlap_params,
           atomic_radius_list):
    f32 = jnp.float32
    B = r.shape[0]
    blk = _BLK
    nblk = B // blk
    nbt, ning, np_ = hopping_params.shape

    rad_pad = jnp.zeros((128,), f32).at[:atomic_radius_list.shape[0]].set(
        atomic_radius_list)
    r0 = _sc_r0(edge_numbers, rad_pad)

    cols = []
    for tbl in (hopping_params, overlap_params):
        for k in range(np_):
            plane = tbl[:, :, k]
            if k == 3:
                plane = 1.0 + jnp.abs(plane)
            cols.append(jnp.pad(plane, ((0, 0), (0, 16 - ning))))
    wt = jnp.concatenate(cols, axis=1).T

    r3 = r.reshape(nblk, 1, blk)
    bt3 = bond_indices.reshape(nblk, 1, blk)
    r03 = r0.reshape(nblk, 1, blk)

    row_spec = pl.BlockSpec((1, 1, blk), lambda i: (i, 0, 0))
    out_spec = pl.BlockSpec((ning, blk), lambda i: (0, i))
    hop_t, ov_t = pl.pallas_call(
        _tc_body,
        grid=(nblk,),
        in_specs=[row_spec, row_spec, row_spec,
                  pl.BlockSpec((128, nbt), lambda i: (0, 0))],
        out_specs=[out_spec, out_spec],
        out_shape=[jax.ShapeDtypeStruct((ning, B), f32),
                   jax.ShapeDtypeStruct((ning, B), f32)],
    )(r3, bt3, r03, wt)
    return (hop_t.T, ov_t.T)

# --- scband reference (transcript-rebuilt; emitter-appended) ---
"""Pipeline reference for scband-dftb2-nnsk-86766929314116 (READ-ONLY COPY).

The authoritative reference and input builder live on the scoring server;
editing this copy changes nothing except your own understanding.
"""

import jax, jax.numpy as jnp
import numpy as np

B = 524288
NBT = 100
NING = 13
NP = 4
NEL = 84
RS = 5.0
W = 0.2


def setup_inputs(seed: int = 0) -> dict:
    key = jax.random.key(seed)
    k1, k2, k3, k4, k5, k6 = jax.random.split(key, 6)
    # sampled bond lengths in a physical range [1.0, 5.0) Angstrom
    r = jax.random.uniform(k1, (B,), dtype=jnp.float32) * 4.0 + 1.0
    bond_indices = jax.random.randint(k2, (B,), 0, NBT, dtype=jnp.int32)
    # zero-based atomic-number indices into the atomic radius table
    edge_numbers = jax.random.randint(k3, (2, B), 0, NEL, dtype=jnp.int32)
    # learned parameters (embedding-style tables indexed by bond type)
    hopping_params = jax.random.normal(k4, (NBT, NING, NP), dtype=jnp.float32)
    overlap_params = jax.random.normal(k5, (NBT, NING, NP), dtype=jnp.float32)
    atomic_radius_list = jax.random.uniform(k6, (NEL,), dtype=jnp.float32) * 1.5 + 0.3
    return {
        "r": r,
        "bond_indices": bond_indices,
        "edge_numbers": edge_numbers,
        "hopping_params": hopping_params,
        "overlap_params": overlap_params,
        "atomic_radius_list": atomic_radius_list,
    }


def _skhij(r, r0, params, bond_indices):
    # gather per-bond-type parameter block: [B, NING, NP]
    p = jnp.take(params, bond_indices, axis=0)
    x = (r / r0 - 1.0)[:, None]
    poly = p[..., 0] + p[..., 1] * x + p[..., 2] * (x * x)
    powfac = ((r0 / r)[:, None]) ** (1.0 + jnp.abs(p[..., 3]))
    fcut = (1.0 / (1.0 + jnp.exp((r - RS) / W)))[:, None]
    return poly * powfac * fcut


def reference(r, bond_indices, edge_numbers, hopping_params, overlap_params, atomic_radius_list):
    # r0 = sum of the two atomic radii of the bond (gather from radius table)
    r0 = jnp.take(atomic_radius_list, edge_numbers[0], axis=0) + jnp.take(
        atomic_radius_list, edge_numbers[1], axis=0
    )
    hopping = _skhij(r, r0, hopping_params, bond_indices)
    overlap = _skhij(r, r0, overlap_params, bond_indices)
    return (hopping, overlap)

if __name__ == "__main__":
    import jax
    _d = setup_inputs()
    print(jax.jit(kernel)(*tuple(_d.values())))

</pallas_src>

<mosaic_0001>
#map = affine_map<(d0, d1) -> (0, 0)>
#map1 = affine_map<(d0, d1) -> (0)>
module attributes {stable_mosaic.version = 14 : i64} {
  func.func @_r0_body(%arg0: i32, %arg1: i32, %arg2: memref<2x524288xi32, #tpu.memory_space<hbm>>, %arg3: memref<128xf32, #tpu.memory_space<hbm>>, %arg4: memref<524288xf32, #tpu.memory_space<hbm>>, %arg5: memref<2x16384xi32, #tpu.memory_space<vmem>>, %arg6: memref<128xf32, #tpu.memory_space<vmem>>, %arg7: memref<16384xf32, #tpu.memory_space<vmem>>) attributes {dimension_semantics = [#tpu.dimension_semantics<core_parallel>, #tpu.dimension_semantics<subcore_parallel>], iteration_bounds = array<i64: 2, 16>, scalar_prefetch = 0 : i64, scratch_operands = 3 : i64, tpu.core_type = #tpu.core_type<sc_vector_subcore>, window_params = [{transform_indices = #map}, {transform_indices = #map1}, {transform_indices = #map1}]} {
    %mul3A = arith.constant 2 : i32
    %mul3A_0 = arith.muli %arg1, %mul3A : i32
    %add3A = arith.addi %mul3A_0, %arg0 : i32
    %mul3A_1 = arith.constant 16384 : i32
    %mul3A_2 = arith.muli %add3A, %mul3A_1 : i32
    "tpu.region"() ({
      %run_scoped3A = tpu.sem_alloc : memref<!tpu.dma_semaphore, #tpu.memory_space<semaphore_mem>>
      %dma_start3A = arith.constant 0 : i32
      %dma_start3A_7 = tpu.memref_slice %arg2[%dma_start3A, %mul3A_2] : memref<2x524288xi32, #tpu.memory_space<hbm>> -> memref<2x16384xi32, #tpu.memory_space<hbm>>
      %dma_start3A_8 = arith.constant 0 : i32
      %dma_start3A_9 = tpu.memref_slice %arg2[%dma_start3A_8, %mul3A_2] : memref<2x524288xi32, #tpu.memory_space<hbm>> -> memref<2x16384xi32, #tpu.memory_space<hbm>>
      tpu.enqueue_dma source(%dma_start3A_9 : memref<2x16384xi32, #tpu.memory_space<hbm>>) target(%arg5 : memref<2x16384xi32, #tpu.memory_space<vmem>>) target_semaphore(%run_scoped3A : memref<!tpu.dma_semaphore, #tpu.memory_space<semaphore_mem>>)
      %dma_wait3A = arith.constant 0 : i32
      %dma_wait3A_10 = tpu.memref_slice %arg2[%dma_wait3A, %mul3A_2] : memref<2x524288xi32, #tpu.memory_space<hbm>> -> memref<2x16384xi32, #tpu.memory_space<hbm>>
      %dma_wait3A_11 = arith.constant 0 : i32
      %dma_wait3A_12 = tpu.memref_slice %arg2[%dma_wait3A_11, %mul3A_2] : memref<2x524288xi32, #tpu.memory_space<hbm>> -> memref<2x16384xi32, #tpu.memory_space<hbm>>
      tpu.wait_dma2 semaphore(%run_scoped3A : memref<!tpu.dma_semaphore, #tpu.memory_space<semaphore_mem>>) src(%dma_wait3A_12 : memref<2x16384xi32, #tpu.memory_space<hbm>>) dst(%arg5 : memref<2x16384xi32, #tpu.memory_space<vmem>>)
      tpu.yield
    }) : () -> ()
    "tpu.region"() ({
      %run_scoped3A = tpu.sem_alloc : memref<!tpu.dma_semaphore, #tpu.memory_space<semaphore_mem>>
      tpu.enqueue_dma source(%arg3 : memref<128xf32, #tpu.memory_space<hbm>>) target(%arg6 : memref<128xf32, #tpu.memory_space<vmem>>) target_semaphore(%run_scoped3A : memref<!tpu.dma_semaphore, #tpu.memory_space<semaphore_mem>>)
      tpu.wait_dma2 semaphore(%run_scoped3A : memref<!tpu.dma_semaphore, #tpu.memory_space<semaphore_mem>>) src(%arg3 : memref<128xf32, #tpu.memory_space<hbm>>) dst(%arg6 : memref<128xf32, #tpu.memory_space<vmem>>)
      tpu.yield
    }) : () -> ()
    %scan3A = arith.constant 0 : i32
    %scan3A_3 = arith.constant 1024 : i32
    %scan3A_4 = arith.addi %scan3A, %scan3A_3 : i32
    %scan3A_5 = arith.constant 4 : i32
    scf.for %scan3A_7 = %scan3A to %scan3A_4 step %scan3A_5  : i32 {
      %mul3A_8 = arith.constant 16 : i32
      %mul3A_9 = arith.muli %scan3A_7, %mul3A_8 : i32
      %get3A = arith.constant 0 : i32
      %get3A_10 = arith.index_cast %get3A : i32 to index
      %get3A_11 = arith.index_cast %mul3A_9 : i32 to index
      %get3A_12 = tpu.vector_load %arg5[%get3A_10, %get3A_11] {strides = array<i32>} : memref<2x16384xi32, #tpu.memory_space<vmem>>, vector<16xi32>,
      %get3A_13 = arith.constant 1 : i32
      %get3A_14 = arith.index_cast %get3A_13 : i32 to index
      %get3A_15 = arith.index_cast %mul3A_9 : i32 to index
      %get3A_16 = tpu.vector_load %arg5[%get3A_14, %get3A_15] {strides = array<i32>} : memref<2x16384xi32, #tpu.memory_space<vmem>>, vector<16xi32>,
      %gather3A = tpu.vector_load_idx %arg6[%get3A_12] : memref<128xf32, #tpu.memory_space<vmem>>[vector<16xi32>], vector<16xf32>,
      %gather3A_17 = tpu.vector_load_idx %arg6[%get3A_16] : memref<128xf32, #tpu.memory_space<vmem>>[vector<16xi32>], vector<16xf32>,
      %add3A_18 = arith.addf %gather3A, %gather3A_17 : vector<16xf32>
      %swap3A = arith.index_cast %mul3A_9 : i32 to index
      %swap3A_19 = tpu.vector_load %arg7[%swap3A] {strides = array<i32>} : memref<16384xf32, #tpu.memory_space<vmem>>, vector<16xf32>,
      tpu.vector_store %arg7[%swap3A], %add3A_18 {strides = array<i32>} : memref<16384xf32, #tpu.memory_space<vmem>>, vector<16xf32>,
      %scan3A_20 = arith.constant 1 : i32
      %scan3A_21 = arith.addi %scan3A_7, %scan3A_20 : i32
      %mul3A_22 = arith.constant 16 : i32
      %mul3A_23 = arith.muli %scan3A_21, %mul3A_22 : i32
      %get3A_24 = arith.constant 0 : i32
      %get3A_25 = arith.index_cast %get3A_24 : i32 to index
      %get3A_26 = arith.index_cast %mul3A_23 : i32 to index
      %get3A_27 = tpu.vector_load %arg5[%get3A_25, %get3A_26] {strides = array<i32>} : memref<2x16384xi32, #tpu.memory_space<vmem>>, vector<16xi32>,
      %get3A_28 = arith.constant 1 : i32
      %get3A_29 = arith.index_cast %get3A_28 : i32 to index
      %get3A_30 = arith.index_cast %mul3A_23 : i32 to index
      %get3A_31 = tpu.vector_load %arg5[%get3A_29, %get3A_30] {strides = array<i32>} : memref<2x16384xi32, #tpu.memory_space<vmem>>, vector<16xi32>,
      %gather3A_32 = tpu.vector_load_idx %arg6[%get3A_27] : memref<128xf32, #tpu.memory_space<vmem>>[vector<16xi32>], vector<16xf32>,
      %gather3A_33 = tpu.vector_load_idx %arg6[%get3A_31] : memref<128xf32, #tpu.memory_space<vmem>>[vector<16xi32>], vector<16xf32>,
      %add3A_34 = arith.addf %gather3A_32, %gather3A_33 : vector<16xf32>
      %swap3A_35 = arith.index_cast %mul3A_23 : i32 to index
      %swap3A_36 = tpu.vector_load %arg7[%swap3A_35] {strides = array<i32>} : memref<16384xf32, #tpu.memory_space<vmem>>, vector<16xf32>,
      tpu.vector_store %arg7[%swap3A_35], %add3A_34 {strides = array<i32>} : memref<16384xf32, #tpu.memory_space<vmem>>, vector<16xf32>,
      %scan3A_37 = arith.constant 2 : i32
      %scan3A_38 = arith.addi %scan3A_7, %scan3A_37 : i32
      %mul3A_39 = arith.constant 16 : i32
      %mul3A_40 = arith.muli %scan3A_38, %mul3A_39 : i32
      %get3A_41 = arith.constant 0 : i32
      %get3A_42 = arith.index_cast %get3A_41 : i32 to index
      %get3A_43 = arith.index_cast %mul3A_40 : i32 to index
      %get3A_44 = tpu.vector_load %arg5[%get3A_42, %get3A_43] {strides = array<i32>} : memref<2x16384xi32, #tpu.memory_space<vmem>>, vector<16xi32>,
      %get3A_45 = arith.constant 1 : i32
      %get3A_46 = arith.index_cast %get3A_45 : i32 to index
      %get3A_47 = arith.index_cast %mul3A_40 : i32 to index
      %get3A_48 = tpu.vector_load %arg5[%get3A_46, %get3A_47] {strides = array<i32>} : memref<2x16384xi32, #tpu.memory_space<vmem>>, vector<16xi32>,
      %gather3A_49 = tpu.vector_load_idx %arg6[%get3A_44] : memref<128xf32, #tpu.memory_space<vmem>>[vector<16xi32>], vector<16xf32>,
      %gather3A_50 = tpu.vector_load_idx %arg6[%get3A_48] : memref<128xf32, #tpu.memory_space<vmem>>[vector<16xi32>], vector<16xf32>,
      %add3A_51 = arith.addf %gather3A_49, %gather3A_50 : vector<16xf32>
      %swap3A_52 = arith.index_cast %mul3A_40 : i32 to index
      %swap3A_53 = tpu.vector_load %arg7[%swap3A_52] {strides = array<i32>} : memref<16384xf32, #tpu.memory_space<vmem>>, vector<16xf32>,
      tpu.vector_store %arg7[%swap3A_52], %add3A_51 {strides = array<i32>} : memref<16384xf32, #tpu.memory_space<vmem>>, vector<16xf32>,
      %scan3A_54 = arith.constant 3 : i32
      %scan3A_55 = arith.addi %scan3A_7, %scan3A_54 : i32
      %mul3A_56 = arith.constant 16 : i32
      %mul3A_57 = arith.muli %scan3A_55, %mul3A_56 : i32
      %get3A_58 = arith.constant 0 : i32
      %get3A_59 = arith.index_cast %get3A_58 : i32 to index
      %get3A_60 = arith.index_cast %mul3A_57 : i32 to index
      %get3A_61 = tpu.vector_load %arg5[%get3A_59, %get3A_60] {strides = array<i32>} : memref<2x16384xi32, #tpu.memory_space<vmem>>, vector<16xi32>,
      %get3A_62 = arith.constant 1 : i32
      %get3A_63 = arith.index_cast %get3A_62 : i32 to index
      %get3A_64 = arith.index_cast %mul3A_57 : i32 to index
      %get3A_65 = tpu.vector_load %arg5[%get3A_63, %get3A_64] {strides = array<i32>} : memref<2x16384xi32, #tpu.memory_space<vmem>>, vector<16xi32>,
      %gather3A_66 = tpu.vector_load_idx %arg6[%get3A_61] : memref<128xf32, #tpu.memory_space<vmem>>[vector<16xi32>], vector<16xf32>,
      %gather3A_67 = tpu.vector_load_idx %arg6[%get3A_65] : memref<128xf32, #tpu.memory_space<vmem>>[vector<16xi32>], vector<16xf32>,
      %add3A_68 = arith.addf %gather3A_66, %gather3A_67 : vector<16xf32>
      %swap3A_69 = arith.index_cast %mul3A_57 : i32 to index
      %swap3A_70 = tpu.vector_load %arg7[%swap3A_69] {strides = array<i32>} : memref<16384xf32, #tpu.memory_space<vmem>>, vector<16xf32>,
      tpu.vector_store %arg7[%swap3A_69], %add3A_68 {strides = array<i32>} : memref<16384xf32, #tpu.memory_space<vmem>>, vector<16xf32>,
    }
    %scan3A_6 = arith.constant 1024 : i32
    "tpu.region"() ({
      %run_scoped3A = tpu.sem_alloc : memref<!tpu.dma_semaphore, #tpu.memory_space<semaphore_mem>>
      %dma_start3A = tpu.memref_slice %arg4[%mul3A_2] : memref<524288xf32, #tpu.memory_space<hbm>> -> memref<16384xf32, #tpu.memory_space<hbm>>
      %dma_start3A_7 = tpu.memref_slice %arg4[%mul3A_2] : memref<524288xf32, #tpu.memory_space<hbm>> -> memref<16384xf32, #tpu.memory_space<hbm>>
      tpu.enqueue_dma source(%arg7 : memref<16384xf32, #tpu.memory_space<vmem>>) target(%dma_start3A_7 : memref<16384xf32, #tpu.memory_space<hbm>>) target_semaphore(%run_scoped3A : memref<!tpu.dma_semaphore, #tpu.memory_space<semaphore_mem>>)
      %dma_wait3A = tpu.memref_slice %arg4[%mul3A_2] : memref<524288xf32, #tpu.memory_space<hbm>> -> memref<16384xf32, #tpu.memory_space<hbm>>
      %dma_wait3A_8 = tpu.memref_slice %arg4[%mul3A_2] : memref<524288xf32, #tpu.memory_space<hbm>> -> memref<16384xf32, #tpu.memory_space<hbm>>
      tpu.wait_dma2 semaphore(%run_scoped3A : memref<!tpu.dma_semaphore, #tpu.memory_space<semaphore_mem>>) src(%arg7 : memref<16384xf32, #tpu.memory_space<vmem>>) dst(%dma_wait3A_8 : memref<16384xf32, #tpu.memory_space<hbm>>)
      tpu.yield
    }) : () -> ()
    return
  }
}

module attributes {stable_mosaic.version = 14 : i64} {
  func.func @_tc_body(%arg0: i32, %arg1: memref<1x1x32768xf32, #tpu.memory_space<vmem>>, %arg2: memref<1x1x32768xi32, #tpu.memory_space<vmem>>, %arg3: memref<1x1x32768xf32, #tpu.memory_space<vmem>>, %arg4: memref<128x100xf32, #tpu.memory_space<vmem>>, %arg5: memref<13x32768xf32, #tpu.memory_space<vmem>>, %arg6: memref<13x32768xf32, #tpu.memory_space<vmem>>) attributes {dimension_semantics = [#tpu.dimension_semantics<arbitrary>], iteration_bounds = array<i64: 16>, scalar_prefetch = 0 : i64, scratch_operands = 0 : i64, tpu.core_type = #tpu.core_type<tc>, window_params = [{transform_indices = @transform_0, window_bounds = array<i64: 1, 1, 32768>}, {transform_indices = @transform_1, window_bounds = array<i64: 1, 1, 32768>}, {transform_indices = @transform_2, window_bounds = array<i64: 1, 1, 32768>}, {pipeline_mode = #tpu.pipeline_mode<synchronous>, transform_indices = @transform_3, window_bounds = array<i64: 128, 100>}, {transform_indices = @transform_4, window_bounds = array<i64: 13, 32768>}, {transform_indices = @transform_5, window_bounds = array<i64: 13, 32768>}]} {
    %get3A = arith.constant 0 : index
    %get3A_0 = arith.constant 0 : index
    %get3A_1 = arith.constant 0 : index
    %get3A_2 = vector.load %arg1[%get3A, %get3A_0, %get3A_1] : memref<1x1x32768xf32, #tpu.memory_space<vmem>>, vector<1x1x32768xf32>
    %get3A_3 = vector.shape_cast %get3A_2 : vector<1x1x32768xf32> to vector<1x32768xf32>
    %get3A_4 = arith.constant 0 : index
    %get3A_5 = arith.constant 0 : index
    %get3A_6 = arith.constant 0 : index
    %get3A_7 = vector.load %arg2[%get3A_4, %get3A_5, %get3A_6] : memref<1x1x32768xi32, #tpu.memory_space<vmem>>, vector<1x1x32768xi32>
    %get3A_8 = vector.shape_cast %get3A_7 : vector<1x1x32768xi32> to vector<1x32768xi32>
    %get3A_9 = arith.constant 0 : index
    %get3A_10 = arith.constant 0 : index
    %get3A_11 = arith.constant 0 : index
    %get3A_12 = vector.load %arg3[%get3A_9, %get3A_10, %get3A_11] : memref<1x1x32768xf32, #tpu.memory_space<vmem>>, vector<1x1x32768xf32>
    %get3A_13 = vector.shape_cast %get3A_12 : vector<1x1x32768xf32> to vector<1x32768xf32>
    %iota3A = tpu.iota {dimensions = array<i32: 0>} : vector<100x32768xi32>
    %eq3A = vector.broadcast %get3A_8 : vector<1x32768xi32> to vector<100x32768xi32>
    %eq3A_14 = arith.cmpi eq, %iota3A, %eq3A : vector<100x32768xi32>
    %jit3A = arith.constant 1.000000e+00 : f32
    %jit3A_15 = arith.constant 0.000000e+00 : f32
    %broadcast_in_dim3A = vector.broadcast %jit3A : f32 to vector<100x32768xf32>
    %broadcast_in_dim3A_16 = vector.broadcast %jit3A_15 : f32 to vector<100x32768xf32>
    %select_n3A = arith.select %eq3A_14, %broadcast_in_dim3A, %broadcast_in_dim3A_16 : vector<100x32768xi1>, vector<100x32768xf32>
    %get3A_17 = arith.constant 0 : index
    %get3A_18 = arith.constant 0 : index
    %get3A_19 = vector.load %arg4[%get3A_17, %get3A_18] : memref<128x100xf32, #tpu.memory_space<vmem>>, vector<128x100xf32>
    %dot_general3A = arith.constant dense<0.000000e+00> : vector<128x32768xf32>
    %dot_general3A_20 = tpu.matmul %get3A_19, %select_n3A, %dot_general3A {dimension_numbers = #tpu.dot_dimension_numbers<[1], [0], [0], [1], [0, 0, 1, 1], [], []>, transpose_lhs_hint = false} : vector<128x100xf32>, vector<100x32768xf32>, vector<128x32768xf32> -> vector<128x32768xf32>
    %div3A = arith.divf %get3A_3, %get3A_13 : vector<1x32768xf32>
    %sub3A = arith.constant 1.000000e+00 : f32
    %sub3A_21 = vector.broadcast %sub3A : f32 to vector<1x32768xf32>
    %sub3A_22 = arith.subf %div3A, %sub3A_21 : vector<1x32768xf32>
    %mul3A = arith.mulf %sub3A_22, %sub3A_22 : vector<1x32768xf32>
    %div3A_23 = arith.divf %get3A_13, %get3A_3 : vector<1x32768xf32>
    %log3A = math.log %div3A_23 : vector<1x32768xf32>
    %sub3A_24 = arith.constant 5.000000e+00 : f32
    %sub3A_25 = vector.broadcast %sub3A_24 : f32 to vector<1x32768xf32>
    %sub3A_26 = arith.subf %get3A_3, %sub3A_25 : vector<1x32768xf32>
    %mul3A_27 = arith.constant 5.000000e+00 : f32
    %mul3A_28 = vector.broadcast %mul3A_27 : f32 to vector<1x32768xf32>
    %mul3A_29 = arith.mulf %sub3A_26, %mul3A_28 : vector<1x32768xf32>
    %exp3A = math.exp %mul3A_29 : vector<1x32768xf32>
    %add3A = arith.constant 1.000000e+00 : f32
    %add3A_30 = vector.broadcast %add3A : f32 to vector<1x32768xf32>
    %add3A_31 = arith.addf %add3A_30, %exp3A : vector<1x32768xf32>
    %div3A_32 = arith.constant 1.000000e+00 : f32
    %div3A_33 = vector.broadcast %div3A_32 : f32 to vector<1x32768xf32>
    %div3A_34 = arith.divf %div3A_33, %add3A_31 : vector<1x32768xf32>
    %slice3A = vector.extract_strided_slice %dot_general3A_20 {offsets = [0, 0], sizes = [16, 32768], strides = [1, 1]} : vector<128x32768xf32> to vector<16x32768xf32>
    %slice3A_35 = vector.extract_strided_slice %dot_general3A_20 {offsets = [16, 0], sizes = [16, 32768], strides = [1, 1]} : vector<128x32768xf32> to vector<16x32768xf32>
    %slice3A_36 = vector.extract_strided_slice %dot_general3A_20 {offsets = [32, 0], sizes = [16, 32768], strides = [1, 1]} : vector<128x32768xf32> to vector<16x32768xf32>
    %slice3A_37 = vector.extract_strided_slice %dot_general3A_20 {offsets = [48, 0], sizes = [16, 32768], strides = [1, 1]} : vector<128x32768xf32> to vector<16x32768xf32>
    %mul3A_38 = vector.broadcast %sub3A_22 : vector<1x32768xf32> to vector<16x32768xf32>
    %mul3A_39 = arith.mulf %slice3A_35, %mul3A_38 : vector<16x32768xf32>
    %add3A_40 = arith.addf %slice3A, %mul3A_39 : vector<16x32768xf32>
    %mul3A_41 = vector.broadcast %mul3A : vector<1x32768xf32> to vector<16x32768xf32>
    %mul3A_42 = arith.mulf %slice3A_36, %mul3A_41 : vector<16x32768xf32>
    %add3A_43 = arith.addf %add3A_40, %mul3A_42 : vector<16x32768xf32>
    %mul3A_44 = vector.broadcast %log3A : vector<1x32768xf32> to vector<16x32768xf32>
    %mul3A_45 = arith.mulf %slice3A_37, %mul3A_44 : vector<16x32768xf32>
    %exp3A_46 = math.exp %mul3A_45 : vector<16x32768xf32>
    %mul3A_47 = arith.mulf %add3A_43, %exp3A_46 : vector<16x32768xf32>
    %mul3A_48 = vector.broadcast %div3A_34 : vector<1x32768xf32> to vector<16x32768xf32>
    %mul3A_49 = arith.mulf %mul3A_47, %mul3A_48 : vector<16x32768xf32>
    %slice3A_50 = vector.extract_strided_slice %mul3A_49 {offsets = [0, 0], sizes = [13, 32768], strides = [1, 1]} : vector<16x32768xf32> to vector<13x32768xf32>
    %swap3A = arith.constant 0 : index
    %swap3A_51 = arith.constant 0 : index
    %swap3A_52 = vector.load %arg5[%swap3A, %swap3A_51] : memref<13x32768xf32, #tpu.memory_space<vmem>>, vector<13x32768xf32>
    tpu.vector_store %arg5[%swap3A, %swap3A_51], %slice3A_50 {strides = array<i32>} : memref<13x32768xf32, #tpu.memory_space<vmem>>, vector<13x32768xf32>,
    %slice3A_53 = vector.extract_strided_slice %dot_general3A_20 {offsets = [64, 0], sizes = [16, 32768], strides = [1, 1]} : vector<128x32768xf32> to vector<16x32768xf32>
    %slice3A_54 = vector.extract_strided_slice %dot_general3A_20 {offsets = [80, 0], sizes = [16, 32768], strides = [1, 1]} : vector<128x32768xf32> to vector<16x32768xf32>
    %slice3A_55 = vector.extract_strided_slice %dot_general3A_20 {offsets = [96, 0], sizes = [16, 32768], strides = [1, 1]} : vector<128x32768xf32> to vector<16x32768xf32>
    %slice3A_56 = vector.extract_strided_slice %dot_general3A_20 {offsets = [112, 0], sizes = [16, 32768], strides = [1, 1]} : vector<128x32768xf32> to vector<16x32768xf32>
    %mul3A_57 = vector.broadcast %sub3A_22 : vector<1x32768xf32> to vector<16x32768xf32>
    %mul3A_58 = arith.mulf %slice3A_54, %mul3A_57 : vector<16x32768xf32>
    %add3A_59 = arith.addf %slice3A_53, %mul3A_58 : vector<16x32768xf32>
    %mul3A_60 = vector.broadcast %mul3A : vector<1x32768xf32> to vector<16x32768xf32>
    %mul3A_61 = arith.mulf %slice3A_55, %mul3A_60 : vector<16x32768xf32>
    %add3A_62 = arith.addf %add3A_59, %mul3A_61 : vector<16x32768xf32>
    %mul3A_63 = vector.broadcast %log3A : vector<1x32768xf32> to vector<16x32768xf32>
    %mul3A_64 = arith.mulf %slice3A_56, %mul3A_63 : vector<16x32768xf32>
    %exp3A_65 = math.exp %mul3A_64 : vector<16x32768xf32>
    %mul3A_66 = arith.mulf %add3A_62, %exp3A_65 : vector<16x32768xf32>
    %mul3A_67 = vector.broadcast %div3A_34 : vector<1x32768xf32> to vector<16x32768xf32>
    %mul3A_68 = arith.mulf %mul3A_66, %mul3A_67 : vector<16x32768xf32>
    %slice3A_69 = vector.extract_strided_slice %mul3A_68 {offsets = [0, 0], sizes = [13, 32768], strides = [1, 1]} : vector<16x32768xf32> to vector<13x32768xf32>
    %swap3A_70 = arith.constant 0 : index
    %swap3A_71 = arith.constant 0 : index
    %swap3A_72 = vector.load %arg6[%swap3A_70, %swap3A_71] : memref<13x32768xf32, #tpu.memory_space<vmem>>, vector<13x32768xf32>
    tpu.vector_store %arg6[%swap3A_70, %swap3A_71], %slice3A_69 {strides = array<i32>} : memref<13x32768xf32, #tpu.memory_space<vmem>>, vector<13x32768xf32>,
    return
  }
  func.func @transform_0(%arg0: i32) -> (i32, i32, i32) {
    %c0_i32 = arith.constant 0 : i32
    %c0_i32_0 = arith.constant 0 : i32
    %c0_i32_1 = arith.constant 0 : i32
    return %arg0, %c0_i32, %c0_i32_0 : i32, i32, i32
  }
  func.func @transform_1(%arg0: i32) -> (i32, i32, i32) {
    %c0_i32 = arith.constant 0 : i32
    %c0_i32_0 = arith.constant 0 : i32
    %c0_i32_1 = arith.constant 0 : i32
    return %arg0, %c0_i32, %c0_i32_0 : i32, i32, i32
  }
  func.func @transform_2(%arg0: i32) -> (i32, i32, i32) {
    %c0_i32 = arith.constant 0 : i32
    %c0_i32_0 = arith.constant 0 : i32
    %c0_i32_1 = arith.constant 0 : i32
    return %arg0, %c0_i32, %c0_i32_0 : i32, i32, i32
  }
  func.func @transform_3(%arg0: i32) -> (i32, i32) {
    %c0_i32 = arith.constant 0 : i32
    %c0_i32_0 = arith.constant 0 : i32
    %c0_i32_1 = arith.constant 0 : i32
    return %c0_i32, %c0_i32_0 : i32, i32
  }
  func.func @transform_4(%arg0: i32) -> (i32, i32) {
    %c0_i32 = arith.constant 0 : i32
    %c0_i32_0 = arith.constant 0 : i32
    return %c0_i32, %arg0 : i32, i32
  }
  func.func @transform_5(%arg0: i32) -> (i32, i32) {
    %c0_i32 = arith.constant 0 : i32
    %c0_i32_0 = arith.constant 0 : i32
    return %c0_i32, %arg0 : i32, i32
  }
}

</mosaic_0001>

<sc_bundles>
// kernel: kernel.4.cloned.1.call-start
scs
__scs_entry_jumppad:
0x0: {  	(pc) =	sbr.rel $0x88, $3  }
0x1: {  	(tag) =	ssettag $0x0;
	lr =	simm.s32 $0x1  }
0x2: {  	[smem:$0x3F9B] =	sst lr;
	_ =	strace $0xD0000000  }
0x3: {  	_ = 	snop  }
0x4: {  	_ = 	snop  }
0x5: {  	_ = 	snop  }
0x6: {  	_ = 	snop  }
0x7: {  	_ = 	snop  }
__scs_overlays_trampoline_lowered:
0x8: {  	[smem:$0x3FAA] =	sst s0  }
0x9: {  	[smem:$0x3FAB] =	sst s1  }
0xa: {  	[smem:$0x3FAC] =	sst s2  }
0xb: {  	[smem:$0x3FAD] =	sst s3  }
0xc: {  	[smem:$0x3FAE] =	sst s4  }
0xd: {  	[smem:$0x3FAF] =	sst s5  }
0xe: {  	[smem:$0x3FB0] =	sst s6  }
0xf: {  	[smem:$0x3FB1] =	sst s7  }
0x10: {  	[smem:$0x3FB2] =	sst s8  }
0x11: {  	[smem:$0x3FB3] =	sst s9;
	s0 =	simm.s32 @!p0 $0x0  }
0x12: {  	s1 =	sld [smem:$0x3F99];
	s0 =	simm.s32 @p0 $0x1  }
0x13: {  	[smem:$0x3FB4] =	sst s0;
	s0 =	simm.s32 @!p1 $0x0  }
0x14: {  	s2 =	sld [smem:$0x3F98];
	s0 =	simm.s32 @p1 $0x1  }
0x15: {  	[smem:$0x3FB5] =	sst s0;
	s0 =	simm.s32 @!p2 $0x0  }
0x16: {  	s3 =	sld [smem:$0x3FDB];
	s0 =	simm.s32 @p2 $0x1  }
0x17: {  	s4 =	simm.s32 $0x1BF5;
	[smem:$0x3FB7] =	sst s0  }
0x18: {  	s0 =	sld [smem:$0x3F9A];
	_ =	swait.ge [sflag:s4], $0x0  }
0x19: {  	s7 =	sld [smem:$0x3F9B]  }
0x1a: {  	s8 =	sadd.s32 $0xFFFFE003, lr  }
0x1b: {  	s9 =	sadd.s32 $0xFFFFFEF7, lr;
	s5 =	simm.s32 $0xFFFFFFFF;
	p2 =	slt.u32 s8, $0xFFFFF086  }
0x1c: {  	p1 =	slt.u32 s9, $0xF7A;
	s5 =	simm.s32 @!p2 $0x0  }
0x1d: {  	s5 =	simm.s32 @p1 $0x1;
	p0 =	seq.s32 s7, s2  }
0x1e: {  	s7 =	smul.u32 @!p0 $0xF7A, s2;
	p2 =	seq.s32 @!p0 s5, $0x0  }
0x1f: {  	s9 =	smul.u32 $0xF7A, s1;
	s8 =	simm.s32 @!p0 $0x1BF5;
	p2 =	por !p2, p0  }
0x20: {  	[sflag:s8] =	ssyncset.s32 @!p0 $0xFFFFF086;
	s6 =	sadd.s32 @!p0 s3, s7;
	s7 =	simm.s32 @!p0 $0x108  }
0x21: {  	s3 =	sadd.s32 s3, s9;
	s6 =	sadd.s32 @!p0 $0x88, s6;
	s7 =	simm.s32 @p2 $0x1082  }
0x22: {  	[simem:s7], [sflag:s8] =	dma.local @!p0 [hbm:s6], $0xF7A  }
0x23: {  	s9 =	sor.u32 $0xD0000000, s2;
	s6 =	simm.s32 $0x108;
	_ =	swait.ge @!p0 [sflag:s8], $0x0  }
0x24: {  	s3 =	sadd.s32 $0x88, s3;
	s6 =	simm.s32 @!p1 $0x1082;
	[sflag:s4] =	ssyncset.s32 $0xFFFFF086  }
0x25: {  	[simem:s6], [sflag:s4] =	dma.local [hbm:s3], $0xF7A  }
0x26: {  	[smem:$0x3F9B] =	sst s1;
	(tag) =	ssettag s2;
	_ =	strace s9  }
0x27: {  	s1 =	sld [smem:$0x3FAB]  }
0x28: {  	s2 =	sld [smem:$0x3FAC]  }
0x29: {  	s4 =	sld [smem:$0x3FAE]  }
0x2a: {  	p0 =	seq.s32 s5, $0x0;
	s5 =	sld [smem:$0x3FAF]  }
0x2b: {  	s6 =	sld [smem:$0x3FB0]  }
0x2c: {  	s7 =	sld [smem:$0x3FB1]  }
0x2d: {  	s3 =	simm.s32 $0x108;
	s8 =	sld [smem:$0x3FB2]  }
0x2e: {  	s3 =	simm.s32 @!p0 $0x1082;
	s9 =	sld [smem:$0x3FB3]  }
0x2f: {  	lr =	sadd.s32 s0, s3;
	s0 =	sld [smem:$0x3FAA]  }
0x30: {  	s3 =	sld [smem:$0x3FAD]  }
0x31: {  	[smem:$0x3FB6] =	sst s10  }
0x32: {  	s10 =	sld [smem:$0x3FB4];
	_ =	sdelay $0x3  }
0x33: {  	p0 =	seq.s32 s10, $0x1;
	s10 =	sld [smem:$0x3FB6];
	_ =	sdelay $0x3  }
0x34: {  	[smem:$0x3FB6] =	sst s10  }
0x35: {  	s10 =	sld [smem:$0x3FB5];
	_ =	sdelay $0x3  }
0x36: {  	p1 =	seq.s32 s10, $0x1;
	s10 =	sld [smem:$0x3FB6];
	_ =	sdelay $0x3  }
0x37: {  	[smem:$0x3FB6] =	sst s10  }
0x38: {  	s10 =	sld [smem:$0x3FB7]  }
0x39: {  	_ = 	snop;
	(pc) =	sbr.ind lr, $3  }
0x3a: {  	_ = 	snop  }
0x3b: {  	_ = 	snop  }
0x3c: {  	p2 =	seq.s32 s10, $0x1;
	s10 =	sld [smem:$0x3FB6]  }
0x3d: {  	_ =	shalt  }
0x3e: {  	_ =	shalt  }
0x3f: {  	_ =	shalt  }
0x40: {  	_ =	shalt  }
0x41: {  	_ =	shalt  }
0x42: {  	_ =	shalt  }
0x43: {  	_ =	shalt  }
0x44: {  	_ =	shalt  }
0x45: {  	_ =	shalt  }
0x46: {  	_ =	shalt  }
0x47: {  	_ =	shalt  }
0x48: {  	_ =	shalt  }
0x49: {  	_ =	shalt  }
0x4a: {  	_ =	shalt  }
0x4b: {  	_ =	shalt  }
0x4c: {  	_ =	shalt  }
0x4d: {  	_ =	shalt  }
0x4e: {  	_ =	shalt  }
0x4f: {  	_ =	shalt  }
0x50: {  	_ =	shalt  }
0x51: {  	_ =	shalt  }
0x52: {  	_ =	shalt  }
0x53: {  	_ =	shalt  }
0x54: {  	_ =	shalt  }
0x55: {  	_ =	shalt  }
0x56: {  	_ =	shalt  }
0x57: {  	_ =	shalt  }
0x58: {  	_ =	shalt  }
0x59: {  	_ =	shalt  }
0x5a: {  	_ =	shalt  }
0x5b: {  	_ =	shalt  }
0x5c: {  	_ =	shalt  }
0x5d: {  	_ =	shalt  }
0x5e: {  	_ =	shalt  }
0x5f: {  	_ =	shalt  }
0x60: {  	_ =	shalt  }
0x61: {  	_ =	shalt  }
0x62: {  	_ =	shalt  }
0x63: {  	_ =	shalt  }
0x64: {  	_ =	shalt  }
0x65: {  	_ =	shalt  }
0x66: {  	_ =	shalt  }
0x67: {  	_ =	shalt  }
0x68: {  	_ =	shalt  }
0x69: {  	_ =	shalt  }
0x6a: {  	_ =	shalt  }
0x6b: {  	_ =	shalt  }
0x6c: {  	_ =	shalt  }
0x6d: {  	_ =	shalt  }
0x6e: {  	_ =	shalt  }
0x6f: {  	_ =	shalt  }
0x70: {  	_ =	shalt  }
0x71: {  	_ =	shalt  }
0x72: {  	_ =	shalt  }
0x73: {  	_ =	shalt  }
0x74: {  	_ =	shalt  }
0x75: {  	_ =	shalt  }
0x76: {  	_ =	shalt  }
0x77: {  	_ =	shalt  }
0x78: {  	_ =	shalt  }
0x79: {  	_ =	shalt  }
0x7a: {  	_ =	shalt  }
0x7b: {  	_ =	shalt  }
0x7c: {  	_ =	shalt  }
0x7d: {  	_ =	shalt  }
0x7e: {  	_ =	shalt  }
0x7f: {  	_ =	shalt  }
0x80: {  	_ =	shalt  }
0x81: {  	_ =	shalt  }
0x82: {  	_ =	shalt  }
0x83: {  	_ =	shalt  }
0x84: {  	_ =	shalt  }
0x85: {  	_ =	shalt  }
0x86: {  	_ =	shalt  }
0x87: {  	_ =	shalt  }
.Lfunc_end0:
.L_simem_size_0:
called_computation_lowered:
.L_overlay_start_0:
0x88: {  	s2 =	sld [smem:$0x3FD9]  }
0x89: {  	s3 =	sld [smem:$0x3FFE];
	_ =	sdelay $0x1  }
0x8a: {  	s1 =	srdreg.scid  }
0x8b: {  	s0 =	sand.u32 $0x1, s1  }
0x8c: {  	s15 =	sshll.u32 s0, $0xA;
	s2 =	sadd.s32 s3, s2  }
0x8d: {  	s2 =	sadd.s32 s2, s15  }
0x8e: {  	[smem:$0x3FC2] =	sst s2  }
0x8f: {  	_ = 	snop  }
0x90: {  	s2 =	sld [smem:$0x3FD0];
	_ =	sdelay $0x2  }
0x91: {  	s4 =	simm.s32 $0xA;
	s5 =	simm.s32 $0x10;
	s16 =	sld [smem:$0x3FC7]  }
0x92: {  	[smem:s5], [sflag:s4] =	dma.local [hbm:s2], $0x1  }
0x93: {  	_ =	swait.eq [sflag:s4], $0x1  }
0x94: {  	[sflag:s4] =	ssyncset.done $0x0  }
0x95: {  	s17 =	sld [smem:$0x10];
	[sflag:s4] =	ssyncadd.s32 $0xFFFFFFFF  }
0x96: {  	s18 =	sld [smem:$0x11];
	(tm) =	ssettm $0x1  }
0x97: {  	s19 =	sld [smem:$0x3FFB];
	_ =	sdelay $0x3  }
0x98: {  	_ =	strace s19  }
0x99: {  	s5 =	sld [smem:$0x3FFC];
	_ =	sdelay $0x3  }
0x9a: {  	_ =	strace s5  }
0x9b: {  	s5 =	sld [smem:$0x3FFD];
	_ =	sdelay $0x3  }
0x9c: {  	_ =	strace s5  }
0x9d: {  	_ =	strace $0x8FFFFFFF  }
0x9e: {  	s20 =	sld [smem:$0x3FDB];
	_ =	sdelay $0x1  }
0x9f: {  	s6 =	simm.s32 $_scs_section_size  }
0xa0: {  	s7 =	simm.s32 $_size__tile_overlayer_lowered;
	s8 =	simm.s32 $_tile_overlayer_lowered  }
0xa1: {  	s23 =	simm.s32 $0x1BFF;
	s22 =	sshll.u32 s8, $0x1;
	s5 =	sadd.s32 s6, s20  }
0xa2: {  	s9 =	simm.s32 $0x0;
	s21 =	sshll.u32 s7, $0x1;
	s7 =	sadd.s32 s22, s5  }
0xa3: {  	[timem:s9], [sflag:s23] =	dma.local [hbm:s7], s21  }
0xa4: {  	_ =	swait.ge [sflag:s23], s21  }
0xa5: {  	s6 =	ssub.s32 $0x0, s21;
	[sflag:s23] =	ssyncset.done $0x0  }
0xa6: {  	[sflag:s23] =	ssyncadd.s32 s6;
	_ =	sdelay $0x1  }
0xa7: {  	s24 =	simm.s32 $0x1B8B  }
0xa8: {  	_ =	swait.ge [sflag:s24], $0x1  }
0xa9: {  	[sflag:s24] =	ssyncset.done $0x0  }
0xaa: {  	s25 =	simm.s32 $0x1B8E;
	[sflag:s24] =	ssyncadd.s32 $0xFFFFFFFF  }
0xab: {  	s26 =	simm.s32 $execute0_lowered;
	[smem:$0x3FD2] =	sst s25  }
0xac: {  	s6 =	sshll.u32 s26, $0x1;
	_ =	strace $0x80000046;
	[dreg:$0x1] =	wrdreg $0xFFFFFFFF  }
0xad: {  	s28 =	simm.s32 $_size_execute0_lowered;
	s5 =	sadd.s32 s5, s6;
	[dreg:$0x0] =	wrdreg $0x0  }
0xae: {  	s6 =	sshll.u32 s28, $0x1;
	[dreg:$0x2] =	wrdreg s5  }
0xaf: {  	[dreg:$0x3] =	wrdreg s6  }
0xb0: {  	[dreg:$0x4] =	wrdreg $0xC0  }
0xb1: {  	_ =	task [dreg:s9], $0x5FFFF  }
0xb2: {  	[dreg:$0x1] =	wrdreg $0xFFFFFFFF  }
0xb3: {  	[dreg:$0x0] =	wrdreg $0x60  }
0xb4: {  	[dreg:$0x2] =	wrdreg s16  }
0xb5: {  	[dreg:$0x3] =	wrdreg s17  }
0xb6: {  	[dreg:$0x4] =	wrdreg s18  }
0xb7: {  	[dreg:$0x5] =	wrdreg $0x9  }
0xb8: {  	_ =	task.clear_ibuf [dreg:s9], $0x6FFFF;
	_ =	strace $0x90000046  }
0xb9: {  	s29 =	simm.s32 $0x9;
	_ =	strace $0x80000048  }
0xba: {  	_ =	swait.ge [sflag:s29], $0x1  }
0xbb: {  	[sflag:s29] =	ssyncadd.s32 $0xFFFFFFFF  }
0xbc: {  	_ =	strace $0x90000048  }
0xbd: {  	_ =	sfence  }
0xbe: {  	s30 =	sld [smem:$0x0];
	_ =	sdelay $0x2  }
0xbf: {  	s31 =	sshll.u32 s1, $0xD;
	s1 =	sshrl.u32 s1, $0x2  }
0xc0: {  	s3 =	sand.u32 $0x4000, s31;
	s1 =	sadd.s32 s1, s30  }
0xc1: {  	s0 =	sor.u32 s3, s0;
	s1 =	sshll.u32 s1, $0x11  }
0xc2: {  	s0 =	sor.u32 s1, s0  }
0xc3: {  	s0 =	sadd.s32 $0x8F2B, s0  }
0xc4: {  	[sflag:s0] =	ssyncadd.remote.s32 $0x1  }
0xc5: {  	_ =	sfence.sel $0xFFFF  }
0xc6: {  	[dreg:$0x0] =	wrdreg $0xFFFFFFFF;
	(pc) =	sbr.abs _section_cstart, $3  }
0xc7: {  	[dreg:$0x1] =	wrdreg $0xFFFFFFFF  }
0xc8: {  	_ =	task.clear_ibuf [dreg:s9], $0x2FFFF;
	_ =	strace $0x9FFFFFFF  }
0xc9: {  	(tm) =	ssettm $0x7FFFFFFF  }
tec
execute0_lowered:
.L_overlay_start_1:
0x0: {  	(tag) =	ssettag $0x1  }
0x1: {  	s4 =	rddreg [dreg:$0x0]  }
0x2: {  	s2 =	rddreg [dreg:$0x1]  }
0x3: {  	s5 =	rddreg [dreg:$0x2];
	s3 =	srdreg.scid  }
0x4: {  	s0 =	rddreg [dreg:$0x3];
	s1 =	stileid.u32;
	s10 =	simm.s32 $0x0  }
0x5: {  	s6 =	sand.u32 $0x1, s3;
	s3 =	simm.s32 $0x0;
	s7 =	sshll.u32 s1, $0xF  }
0x6: {  	s8 =	sshll.u32 s6, $0xE;
	[smem:$0x7FF] =	sst s3;
	s6 =	ssub.s32 $0x2, s6  }
0x7: {  	s7 =	sor.u32 s8, s7;
	_ =	strace $0x80000047;
	s31 =	sshrl.u32 s6, $0x1  }
0x8: {  	s8 =	simm.s32 $0x8000;
	s9 =	sshrl.u32 s7, $0x2;
	s7 =	sshrl.u32 s7, $0x3  }
0x9: {  	s6 =	ssub.s32 s6, s31;
	s4 =	sadd.s32 s4, s9;
	s5 =	sadd.s32 s5, s7  }
0xa: {  	s6 =	smax.u32 s6, $0x1;
	s7 =	simm.s32 $0x1;
	s9 =	simm.s32 $0x8080  }
.LBB2_1:
0xb: {  	[tilespmem:s3], [sflag:$0x1] =	stream.linear.gather [hbm4b:s4+s3], $0x8000, $0x38;
	[tilespmem:$0xC080] =	vst v63  }
0xc: {  	_ =	swait.ge [sflag:s7], $0x8000  }
0xd: {  	[sflag:s7] =	ssyncset.done $0x0  }
0xe: {  	[sflag:s7] =	ssyncadd.s32 $0xFFFF8000  }
0xf: {  	[tilespmem:s8], [sflag:$0x1] =	stream.linear.gather [hbm4b:s2+s3], $0x80, $0x38;
	[tilespmem:$0xC080] =	vst v63  }
0x10: {  	_ =	swait.ge [sflag:s7], $0x80  }
0x11: {  	s11 =	simm.s32 $0xFFFFFFFC;
	s12 =	simm.s32 $0x8080;
	[sflag:s7] =	ssyncset.done $0x0  }
0x12: {  	s13 =	simm.s32 $0x0;
	s14 =	simm.s32 $0x0;
	[sflag:s7] =	ssyncadd.s32 $0xFFFFFF80  }
.LBB2_2:
0x13: {  	s15 =	sand.u32 $0x40, s13;
	s16 =	sand.u32 $0x7F00, s14  }
0x14: {  	s17 =	sor.u32 s15, s16  }
0x15: {  	v0 =	vld [tilespmem:s17+$0x0]  }
0x16: {  	v1 =	vld [tilespmem:s17+$0x80];
	_ =	sdelay $0x6  }
0x17: {  	v0 =	vld.idx.msk [tilespmem:v0+s8+$0x0], $0xffff  }
0x18: {  	v1 =	vld.idx.msk [tilespmem:v1+s8+$0x0], $0xffff;
	_ =	sdelay $0x4  }
0x19: {  	v0 =	vadd.f32 v1, v0  }
0x1a: {  	s28 =	sor.u32 $0x10, s15  }
0x1b: {  	s18 =	sor.u32 s28, s16;
	[tilespmem:s12+$0x0] =	vst v0  }
0x1c: {  	v0 =	vld [tilespmem:s18+$0x0]  }
0x1d: {  	v61 =	vld [tilespmem:s18+$0x80];
	_ =	sdelay $0x6  }
0x1e: {  	v0 =	vld.idx.msk [tilespmem:v0+s8+$0x0], $0xffff  }
0x1f: {  	v1 =	vld.idx.msk [tilespmem:v61+s8+$0x0], $0xffff;
	_ =	sdelay $0x3  }
0x20: {  	s29 =	sand.u32 $0x3F80, s13  }
0x21: {  	s18 =	sadd.s32 $0x8080, s29;
	v0 =	vadd.f32 v1, v0  }
0x22: {  	s19 =	sor.u32 $0x20, s15;
	s17 =	sor.u32 s28, s18  }
0x23: {  	s30 =	sor.u32 s19, s16;
	[tilespmem:s17+$0x0] =	vst v0  }
0x24: {  	v0 =	vld [tilespmem:s30+$0x0]  }
0x25: {  	v62 =	vld [tilespmem:s30+$0x80];
	_ =	sdelay $0x6  }
0x26: {  	v0 =	vld.idx.msk [tilespmem:v0+s8+$0x0], $0xffff  }
0x27: {  	v1 =	vld.idx.msk [tilespmem:v62+s8+$0x0], $0xffff;
	_ =	sdelay $0x4  }
0x28: {  	v0 =	vadd.f32 v1, v0  }
0x29: {  	s15 =	sor.u32 $0x30, s15;
	s31 =	sor.u32 s19, s18  }
0x2a: {  	s16 =	sor.u32 s15, s16;
	[tilespmem:s31+$0x0] =	vst v0  }
0x2b: {  	v0 =	vld [tilespmem:s16+$0x0]  }
0x2c: {  	v63 =	vld [tilespmem:s16+$0x80];
	_ =	sdelay $0x6  }
0x2d: {  	v0 =	vld.idx.msk [tilespmem:v0+s8+$0x0], $0xffff  }
0x2e: {  	v1 =	vld.idx.msk [tilespmem:v63+s8+$0x0], $0xffff  }
0x2f: {  	s11 =	sadd.s32 $0x4, s11  }
0x30: {  	p0 =	slt.u32 s11, $0x3FC  }
.Ltmp0:
0x31: {  	_ = 	snop;
	(pc) =	sbr.rel @p0 .LBB2_2-.Ltmp0, $4  }
0x32: {  	_ = 	snop  }
0x33: {  	v0 =	vadd.f32 v1, v0  }
0x34: {  	s15 =	sor.u32 s15, s18  }
0x35: {  	s14 =	sadd.s32 $0x80, s14;
	s13 =	sadd.s32 $0x40, s13;
	s12 =	sadd.s32 $0x40, s12;
	[tilespmem:s15+$0x0] =	vst v0  }
0x36: {  	s10 =	sadd.s32 $0x1, s10  }
0x37: {  	p0 =	sne.s32 s10, s6  }
.Ltmp1:
0x38: {  	_ = 	snop;
	(pc) =	sbr.rel @p0 .LBB2_1-.Ltmp1, $4  }
0x39: {  	[hbm4b:s5+s3] =	stream.linear.scatter [tilespmem:s9], [sflag:$0x1], $0x4000, $0x38;
	[tilespmem:$0xC080] =	vst v63  }
0x3a: {  	_ =	swait.ge [sflag:s7], $0x4000  }
0x3b: {  	[sflag:s7] =	ssyncset.done $0x0  }
0x3c: {  	[sflag:s7] =	ssyncadd.s32 $0xFFFFC000  }
0x3d: {  	_ =	sfence.sel $0x180000  }
0x3e: {  	[bflag:$0x0] =	sbarrier.arrive $0xFFFF  }
0x3f: {  	p0 =	sne.s32 s1, $0x0;
	_ =	strace $0x90000047  }
0x40: {  	s0 =	sadd.s32 @!p0 $0x100000, s0;
	[bflag:$0x2] =	sbarrier.arrive $0xFFFF  }
0x41: {  	[sflag:s0] =	ssyncadd.tile.s32 @!p0 $0x1;
	_ =	shalt  }
.Lfunc_end2:
_tile_overlayer_lowered:
.L_overlay_start_2:
0x42: {  	(tag) =	ssettag $0x2  }
0x43: {  	s0 =	rddreg [dreg:$0x0];
	s2 =	stileid.u32  }
0x44: {  	s1 =	rddreg [dreg:$0x1];
	p0 =	sne.s32 s2, $0x0  }
0x45: {  	s3 =	rddreg [dreg:$0x2];
	[bflag:$0x3] =	sbarrier.arrive $0xFFFF;
	s2 =	simm.s32 @!p0 $0x1C01  }
0x46: {  	[timem:s3], [sflag:s2] =	dma.local @!p0 [hbm:s0], s1  }
0x47: {  	s0 =	simm.s32 @!p0 $0x1  }
0x48: {  	_ =	swait.ge @!p0 [sflag:s0], s1  }
0x49: {  	s1 =	ssub.s32 @!p0 $0x0, s1;
	[sflag:s0] =	ssyncset.done @!p0 $0x0  }
0x4a: {  	[sflag:s0] =	ssyncadd.s32 @!p0 s1  }
0x4b: {  	[bflag:$0x3] =	sbarrier.arrive $0xFFFF  }
0x4c: {  	_ =	shalt  }

</sc_bundles>
